<compile_context>
chip_gen: v7x
topology: tpu7x:2x2x1
jax: 0.10.2.dev20260603
libtpu: 0.0.44.dev20260713+nightly
codegen_flags: <defaults>
</compile_context>

<pallas_src>
import functools
import math

import jax
import jax.numpy as jnp
import numpy as np
from jax.experimental import pallas as pl
from jax.experimental.pallas import tpu as pltpu
from jax.experimental.pallas import tpu_sc as plsc

_SEGS = 16
_TOP_K = 8
_NHEAD = 4
_CHUNK = 64


def _stage1_kernel(a_ref, v_ref, q_ref, wq_ref, wk_ref, bq_ref, bk_ref,
                   wfc_ref, bfc_ref, idx_ref, rows_ref):
    T, C = a_ref.shape[1], a_ref.shape[2]
    clip_len = T // _SEGS
    hd = C // _NHEAD

    a_clip = a_ref[0].reshape(_SEGS, clip_len, C).mean(axis=1)
    v_clip = v_ref[0].reshape(_SEGS, clip_len, C).mean(axis=1)

    fusion = jnp.tanh(jnp.concatenate([a_clip, v_clip], axis=-1))
    fusion = jax.lax.dot_general(
        fusion, wfc_ref[...], (((1,), (1,)), ((), ())),
        preferred_element_type=jnp.float32) + bfc_ref[...]

    q = jax.lax.dot_general(
        q_ref[0], wq_ref[...], (((1,), (1,)), ((), ())),
        preferred_element_type=jnp.float32) + bq_ref[...]
    k = jax.lax.dot_general(
        fusion, wk_ref[...], (((1,), (1,)), ((), ())),
        preferred_element_type=jnp.float32) + bk_ref[...]

    qh = q.reshape(_NHEAD, hd)
    kh = k.reshape(_SEGS, _NHEAD, hd)
    scores = (kh * qh[None]).sum(axis=-1) / np.float32(math.sqrt(hd))

    m = scores.max(axis=0, keepdims=True)
    e = jnp.exp(scores - m)
    attn = e / e.sum(axis=0, keepdims=True)
    w_col = attn.mean(axis=1, keepdims=True)
    w_row = w_col.T

    ii = jax.lax.broadcasted_iota(jnp.int32, (_SEGS, _SEGS), 0)
    jj = jax.lax.broadcasted_iota(jnp.int32, (_SEGS, _SEGS), 1)
    beats = (w_row > w_col) | ((w_row == w_col) & (jj > ii))
    count_col = jnp.sum(beats.astype(jnp.int32), axis=1, keepdims=True)
    count_row = (_SEGS - 1) - jnp.sum(beats.astype(jnp.int32), axis=0,
                                      keepdims=True)
    in_top_col = count_col < _TOP_K
    in_top_row = count_row < _TOP_K
    pos_col = jnp.sum((in_top_row & (jj < ii)).astype(jnp.int32), axis=1,
                      keepdims=True)
    r_row = jax.lax.broadcasted_iota(jnp.int32, (1, _TOP_K), 1)
    oh = in_top_col & (pos_col == r_row)
    i8 = jax.lax.broadcasted_iota(jnp.int32, (_SEGS, _TOP_K), 0)
    idx_row = jnp.sum(jnp.where(oh, i8, 0), axis=0, keepdims=True)
    idx_ref[0] = idx_row

    b = pl.program_id(0)
    t_iota = jax.lax.broadcasted_iota(jnp.int32, (1, _TOP_K * clip_len), 1)
    kk_of_t = t_iota // clip_len
    seg_at = jnp.zeros_like(t_iota)
    for kk in range(_TOP_K):
        seg_at = jnp.where(kk_of_t == kk, idx_row[0, kk], seg_at)
    rows_ref[0] = b * T + seg_at * clip_len + (t_iota % clip_len)


def _stage1(audio_input, visual_input, qst_input, wq, wk, bq, bk, wfc, bfc):
    B, T, C = audio_input.shape
    clip_len = T // _SEGS
    out_shape = [
        jax.ShapeDtypeStruct((B, 1, _TOP_K), jnp.int32),
        jax.ShapeDtypeStruct((B, 1, _TOP_K * clip_len), jnp.int32),
    ]
    in_specs = [
        pl.BlockSpec((1, T, C), lambda b: (b, 0, 0)),
        pl.BlockSpec((1, T, C), lambda b: (b, 0, 0)),
        pl.BlockSpec((1, 1, C), lambda b: (b, 0, 0)),
        pl.BlockSpec((C, C), lambda b: (0, 0)),
        pl.BlockSpec((C, C), lambda b: (0, 0)),
        pl.BlockSpec((1, C), lambda b: (0, 0)),
        pl.BlockSpec((1, C), lambda b: (0, 0)),
        pl.BlockSpec((C, 2 * C), lambda b: (0, 0)),
        pl.BlockSpec((1, C), lambda b: (0, 0)),
    ]
    out_specs = [
        pl.BlockSpec((1, 1, _TOP_K), lambda b: (b, 0, 0)),
        pl.BlockSpec((1, 1, _TOP_K * clip_len), lambda b: (b, 0, 0)),
    ]
    return pl.pallas_call(
        _stage1_kernel,
        grid=(B,),
        in_specs=in_specs,
        out_specs=out_specs,
        out_shape=out_shape,
    )(audio_input, visual_input, qst_input.reshape(B, 1, C), wq, wk, bq, bk,
      wfc, bfc)


def _make_sc_gather(n_rows, C):
    info = plsc.get_sparse_core_info()
    nw = info.num_cores * info.num_subcores
    rows_per_w = n_rows // nw
    n_chunks = rows_per_w // _CHUNK
    mesh = plsc.VectorSubcoreMesh(core_axis_name="c", subcore_axis_name="s")

    @functools.partial(
        pl.kernel, mesh=mesh,
        out_type=[
            jax.ShapeDtypeStruct((n_rows, C), jnp.float32),
            jax.ShapeDtypeStruct((n_rows, C), jnp.float32),
        ],
        scratch_types=[
            pltpu.VMEM((_CHUNK,), jnp.int32),
            pltpu.VMEM((_CHUNK, C), jnp.float32),
            pltpu.VMEM((_CHUNK, C), jnp.float32),
            pltpu.SemaphoreType.DMA,
            pltpu.SemaphoreType.DMA,
        ],
    )
    def sc_gather(rowidx_hbm, audio_hbm, visual_hbm, oa_hbm, ov_hbm,
                  idx_v, rows_a, rows_v, sem_a, sem_v):
        wid = jax.lax.axis_index("s") * info.num_cores + jax.lax.axis_index("c")
        base = wid * rows_per_w

        def body(c, _):
            rbase = base + c * _CHUNK
            pltpu.sync_copy(rowidx_hbm.at[pl.ds(rbase, _CHUNK)], idx_v)
            cp_a = pltpu.async_copy(audio_hbm.at[idx_v], rows_a, sem_a)
            cp_v = pltpu.async_copy(visual_hbm.at[idx_v], rows_v, sem_v)
            cp_a.wait()
            pltpu.sync_copy(rows_a, oa_hbm.at[pl.ds(rbase, _CHUNK)])
            cp_v.wait()
            pltpu.sync_copy(rows_v, ov_hbm.at[pl.ds(rbase, _CHUNK)])
            return _

        jax.lax.fori_loop(0, n_chunks, body, None)

    return sc_gather


def kernel(audio_input, visual_input, qst_input, in_proj_w, in_proj_b,
           clip_fc_w, clip_fc_b):
    B, T, C = audio_input.shape
    clip_len = T // _SEGS
    wq = in_proj_w[:C]
    wk = in_proj_w[C:2 * C]
    bq = in_proj_b[:C].reshape(1, C)
    bk = in_proj_b[C:2 * C].reshape(1, C)
    bfc = clip_fc_b.reshape(1, C)

    idx, rows = _stage1(audio_input, visual_input, qst_input,
                        wq, wk, bq, bk, clip_fc_w, bfc)

    n_rows = B * _TOP_K * clip_len
    sc_gather = _make_sc_gather(n_rows, C)
    oa2, ov2 = sc_gather(rows.reshape(n_rows),
                         audio_input.reshape(B * T, C),
                         visual_input.reshape(B * T, C))
    oa = oa2.reshape(B, _TOP_K * clip_len, C)
    ov = ov2.reshape(B, _TOP_K * clip_len, C)
    return (oa, ov, idx)

# --- scband reference (transcript-rebuilt; emitter-appended) ---
"""Pipeline reference for scband-temporal-segment-selection-52553219833980 (READ-ONLY COPY).

The authoritative reference and input builder live on the scoring server;
editing this copy changes nothing except your own understanding.
"""

import jax, jax.numpy as jnp
import numpy as np

SEGS = 16
TOP_K = 8
NHEAD = 4


def setup_inputs(seed: int = 0) -> dict:
    key = jax.random.key(seed)
    ks = jax.random.split(key, 8)
    B, T, C = 32, 2048, 512
    audio_input = jax.random.normal(ks[0], (B, T, C), dtype=jnp.float32)
    visual_input = jax.random.normal(ks[1], (B, T, C), dtype=jnp.float32)
    qst_input = jax.random.normal(ks[2], (B, C), dtype=jnp.float32)
    in_proj_w = jax.random.normal(ks[3], (3 * C, C), dtype=jnp.float32) * 0.02
    in_proj_b = jnp.zeros((3 * C,), dtype=jnp.float32)
    clip_fc_w = jax.random.normal(ks[4], (C, 2 * C), dtype=jnp.float32) * 0.02
    clip_fc_b = jnp.zeros((C,), dtype=jnp.float32)
    return {
        "audio_input": audio_input,
        "visual_input": visual_input,
        "qst_input": qst_input,
        "in_proj_w": in_proj_w,
        "in_proj_b": in_proj_b,
        "clip_fc_w": clip_fc_w,
        "clip_fc_b": clip_fc_b,
    }


def reference(audio_input, visual_input, qst_input, in_proj_w, in_proj_b, clip_fc_w, clip_fc_b):
    B, T, C = audio_input.shape
    clip_len = T // SEGS
    # AVClipGen: avg_pool2d over clip_len == mean over each segment
    a_clip = audio_input.reshape(B, SEGS, clip_len, C).mean(axis=2)
    v_clip = visual_input.reshape(B, SEGS, clip_len, C).mean(axis=2)
    fusion = jnp.tanh(jnp.concatenate([a_clip, v_clip], axis=-1))
    fusion = fusion @ clip_fc_w.T + clip_fc_b  # [B, SEGS, C]
    # QstQueryClipAttn: torch nn.MultiheadAttention attention weights (averaged over heads)
    Wq = in_proj_w[:C]
    Wk = in_proj_w[C:2 * C]
    bq = in_proj_b[:C]
    bk = in_proj_b[C:2 * C]
    q = qst_input @ Wq.T + bq            # [B, C]
    k = fusion @ Wk.T + bk               # [B, SEGS, C]
    hd = C // NHEAD
    qh = q.reshape(B, NHEAD, hd)
    kh = k.reshape(B, SEGS, NHEAD, hd)
    scores = jnp.einsum('bhd,bshd->bhs', qh, kh) / np.sqrt(hd).astype(np.float32)
    attn = jax.nn.softmax(scores, axis=-1)           # [B, NHEAD, SEGS]
    temp_weights = attn.mean(axis=1)                 # [B, SEGS] (avg over heads)
    # SelectTopK: ascending argsort, take last top_k, sort indices ascending
    sort_index = jnp.argsort(temp_weights, axis=-1)
    top_k_index = sort_index[:, -TOP_K:]
    idx = jnp.sort(top_k_index, axis=-1)             # [B, TOP_K]
    a_seg = audio_input.reshape(B, SEGS, clip_len, C)
    v_seg = visual_input.reshape(B, SEGS, clip_len, C)
    out_audio = jnp.take_along_axis(a_seg, idx[:, :, None, None], axis=1).reshape(B, TOP_K * clip_len, C)
    out_visual = jnp.take_along_axis(v_seg, idx[:, :, None, None], axis=1).reshape(B, TOP_K * clip_len, C)
    top_k_index_sort = idx[:, None, :]               # [B, 1, TOP_K], matches torch shape
    return (out_audio, out_visual, top_k_index_sort)

if __name__ == "__main__":
    import jax
    _d = setup_inputs()
    print(jax.jit(kernel)(*tuple(_d.values())))

</pallas_src>

<mosaic_0001>
#map = affine_map<(d0, d1) -> (0)>
#map1 = affine_map<(d0, d1) -> (0, 0)>
module attributes {stable_mosaic.version = 14 : i64} {
  func.func @sc_gather(%arg0: i32, %arg1: i32, %arg2: memref<32768xi32, #tpu.memory_space<hbm>>, %arg3: memref<65536x512xf32, #tpu.memory_space<hbm>>, %arg4: memref<65536x512xf32, #tpu.memory_space<hbm>>, %arg5: memref<32768x512xf32, #tpu.memory_space<hbm>>, %arg6: memref<32768x512xf32, #tpu.memory_space<hbm>>, %arg7: memref<64xi32, #tpu.memory_space<vmem>>, %arg8: memref<64x512xf32, #tpu.memory_space<vmem>>, %arg9: memref<64x512xf32, #tpu.memory_space<vmem>>, %arg10: memref<!tpu.dma_semaphore, #tpu.memory_space<semaphore_mem>>, %arg11: memref<!tpu.dma_semaphore, #tpu.memory_space<semaphore_mem>>) attributes {dimension_semantics = [#tpu.dimension_semantics<core_parallel>, #tpu.dimension_semantics<subcore_parallel>], iteration_bounds = array<i64: 2, 16>, scalar_prefetch = 0 : i64, scratch_operands = 5 : i64, tpu.core_type = #tpu.core_type<sc_vector_subcore>, window_params = [{transform_indices = #map}, {transform_indices = #map1}, {transform_indices = #map1}, {transform_indices = #map1}, {transform_indices = #map1}]} {
    %mul3A = arith.constant 2 : i32
    %mul3A_0 = arith.muli %arg1, %mul3A : i32
    %add3A = arith.addi %mul3A_0, %arg0 : i32
    %mul3A_1 = arith.constant 1024 : i32
    %mul3A_2 = arith.muli %add3A, %mul3A_1 : i32
    %scan3A = arith.constant 0 : i32
    %scan3A_3 = arith.constant 16 : i32
    %scan3A_4 = arith.addi %scan3A, %scan3A_3 : i32
    %scan3A_5 = arith.constant 1 : i32
    scf.for %scan3A_7 = %scan3A to %scan3A_4 step %scan3A_5  : i32 {
      %mul3A_8 = arith.constant 64 : i32
      %mul3A_9 = arith.muli %scan3A_7, %mul3A_8 : i32
      %add3A_10 = arith.addi %mul3A_2, %mul3A_9 : i32
      "tpu.region"() ({
        %run_scoped3A = tpu.sem_alloc : memref<!tpu.dma_semaphore, #tpu.memory_space<semaphore_mem>>
        %dma_start3A_21 = tpu.memref_slice %arg2[%add3A_10] : memref<32768xi32, #tpu.memory_space<hbm>> -> memref<64xi32, #tpu.memory_space<hbm>>
        %dma_start3A_22 = tpu.memref_slice %arg2[%add3A_10] : memref<32768xi32, #tpu.memory_space<hbm>> -> memref<64xi32, #tpu.memory_space<hbm>>
        tpu.enqueue_dma source(%dma_start3A_22 : memref<64xi32, #tpu.memory_space<hbm>>) target(%arg7 : memref<64xi32, #tpu.memory_space<vmem>>) target_semaphore(%run_scoped3A : memref<!tpu.dma_semaphore, #tpu.memory_space<semaphore_mem>>)
        %dma_wait3A_23 = tpu.memref_slice %arg2[%add3A_10] : memref<32768xi32, #tpu.memory_space<hbm>> -> memref<64xi32, #tpu.memory_space<hbm>>
        %dma_wait3A_24 = tpu.memref_slice %arg2[%add3A_10] : memref<32768xi32, #tpu.memory_space<hbm>> -> memref<64xi32, #tpu.memory_space<hbm>>
        tpu.wait_dma2 semaphore(%run_scoped3A : memref<!tpu.dma_semaphore, #tpu.memory_space<semaphore_mem>>) src(%dma_wait3A_24 : memref<64xi32, #tpu.memory_space<hbm>>) dst(%arg7 : memref<64xi32, #tpu.memory_space<vmem>>)
        tpu.yield
      }) : () -> ()
      %dma_start3A = arith.constant 0 : i32
      %dma_start3A_11 = arith.constant 0 : i32
      %dma_start3A_12 = tpu.memref_slice %arg3[%dma_start3A, %dma_start3A_11] : memref<65536x512xf32, #tpu.memory_space<hbm>> -> memref<65536x512xf32, #tpu.memory_space<hbm>>
      tpu.enqueue_indirect_dma source(%dma_start3A_12 : memref<65536x512xf32, #tpu.memory_space<hbm>>) target(%arg8 : memref<64x512xf32, #tpu.memory_space<vmem>>) offsets(%arg7 : memref<64xi32, #tpu.memory_space<vmem>>) semaphore(%arg10 : memref<!tpu.dma_semaphore, #tpu.memory_space<semaphore_mem>>)
      %dma_start3A_13 = arith.constant 0 : i32
      %dma_start3A_14 = arith.constant 0 : i32
      %dma_start3A_15 = tpu.memref_slice %arg4[%dma_start3A_13, %dma_start3A_14] : memref<65536x512xf32, #tpu.memory_space<hbm>> -> memref<65536x512xf32, #tpu.memory_space<hbm>>
      tpu.enqueue_indirect_dma source(%dma_start3A_15 : memref<65536x512xf32, #tpu.memory_space<hbm>>) target(%arg9 : memref<64x512xf32, #tpu.memory_space<vmem>>) offsets(%arg7 : memref<64xi32, #tpu.memory_space<vmem>>) semaphore(%arg11 : memref<!tpu.dma_semaphore, #tpu.memory_space<semaphore_mem>>)
      %dma_wait3A = arith.constant 0 : i32
      %dma_wait3A_16 = arith.constant 0 : i32
      %dma_wait3A_17 = tpu.memref_slice %arg3[%dma_wait3A, %dma_wait3A_16] : memref<65536x512xf32, #tpu.memory_space<hbm>> -> memref<65536x512xf32, #tpu.memory_space<hbm>>
      tpu.wait_indirect_dma semaphore(%arg10 : memref<!tpu.dma_semaphore, #tpu.memory_space<semaphore_mem>>) src(%dma_wait3A_17 : memref<65536x512xf32, #tpu.memory_space<hbm>>) dst(%arg8 : memref<64x512xf32, #tpu.memory_space<vmem>>)
      "tpu.region"() ({
        %run_scoped3A = tpu.sem_alloc : memref<!tpu.dma_semaphore, #tpu.memory_space<semaphore_mem>>
        %dma_start3A_21 = arith.constant 0 : i32
        %dma_start3A_22 = tpu.memref_slice %arg5[%add3A_10, %dma_start3A_21] : memref<32768x512xf32, #tpu.memory_space<hbm>> -> memref<64x512xf32, #tpu.memory_space<hbm>>
        %dma_start3A_23 = arith.constant 0 : i32
        %dma_start3A_24 = tpu.memref_slice %arg5[%add3A_10, %dma_start3A_23] : memref<32768x512xf32, #tpu.memory_space<hbm>> -> memref<64x512xf32, #tpu.memory_space<hbm>>
        tpu.enqueue_dma source(%arg8 : memref<64x512xf32, #tpu.memory_space<vmem>>) target(%dma_start3A_24 : memref<64x512xf32, #tpu.memory_space<hbm>>) target_semaphore(%run_scoped3A : memref<!tpu.dma_semaphore, #tpu.memory_space<semaphore_mem>>)
        %dma_wait3A_25 = arith.constant 0 : i32
        %dma_wait3A_26 = tpu.memref_slice %arg5[%add3A_10, %dma_wait3A_25] : memref<32768x512xf32, #tpu.memory_space<hbm>> -> memref<64x512xf32, #tpu.memory_space<hbm>>
        %dma_wait3A_27 = arith.constant 0 : i32
        %dma_wait3A_28 = tpu.memref_slice %arg5[%add3A_10, %dma_wait3A_27] : memref<32768x512xf32, #tpu.memory_space<hbm>> -> memref<64x512xf32, #tpu.memory_space<hbm>>
        tpu.wait_dma2 semaphore(%run_scoped3A : memref<!tpu.dma_semaphore, #tpu.memory_space<semaphore_mem>>) src(%arg8 : memref<64x512xf32, #tpu.memory_space<vmem>>) dst(%dma_wait3A_28 : memref<64x512xf32, #tpu.memory_space<hbm>>)
        tpu.yield
      }) : () -> ()
      %dma_wait3A_18 = arith.constant 0 : i32
      %dma_wait3A_19 = arith.constant 0 : i32
      %dma_wait3A_20 = tpu.memref_slice %arg4[%dma_wait3A_18, %dma_wait3A_19] : memref<65536x512xf32, #tpu.memory_space<hbm>> -> memref<65536x512xf32, #tpu.memory_space<hbm>>
      tpu.wait_indirect_dma semaphore(%arg11 : memref<!tpu.dma_semaphore, #tpu.memory_space<semaphore_mem>>) src(%dma_wait3A_20 : memref<65536x512xf32, #tpu.memory_space<hbm>>) dst(%arg9 : memref<64x512xf32, #tpu.memory_space<vmem>>)
      "tpu.region"() ({
        %run_scoped3A = tpu.sem_alloc : memref<!tpu.dma_semaphore, #tpu.memory_space<semaphore_mem>>
        %dma_start3A_21 = arith.constant 0 : i32
        %dma_start3A_22 = tpu.memref_slice %arg6[%add3A_10, %dma_start3A_21] : memref<32768x512xf32, #tpu.memory_space<hbm>> -> memref<64x512xf32, #tpu.memory_space<hbm>>
        %dma_start3A_23 = arith.constant 0 : i32
        %dma_start3A_24 = tpu.memref_slice %arg6[%add3A_10, %dma_start3A_23] : memref<32768x512xf32, #tpu.memory_space<hbm>> -> memref<64x512xf32, #tpu.memory_space<hbm>>
        tpu.enqueue_dma source(%arg9 : memref<64x512xf32, #tpu.memory_space<vmem>>) target(%dma_start3A_24 : memref<64x512xf32, #tpu.memory_space<hbm>>) target_semaphore(%run_scoped3A : memref<!tpu.dma_semaphore, #tpu.memory_space<semaphore_mem>>)
        %dma_wait3A_25 = arith.constant 0 : i32
        %dma_wait3A_26 = tpu.memref_slice %arg6[%add3A_10, %dma_wait3A_25] : memref<32768x512xf32, #tpu.memory_space<hbm>> -> memref<64x512xf32, #tpu.memory_space<hbm>>
        %dma_wait3A_27 = arith.constant 0 : i32
        %dma_wait3A_28 = tpu.memref_slice %arg6[%add3A_10, %dma_wait3A_27] : memref<32768x512xf32, #tpu.memory_space<hbm>> -> memref<64x512xf32, #tpu.memory_space<hbm>>
        tpu.wait_dma2 semaphore(%run_scoped3A : memref<!tpu.dma_semaphore, #tpu.memory_space<semaphore_mem>>) src(%arg9 : memref<64x512xf32, #tpu.memory_space<vmem>>) dst(%dma_wait3A_28 : memref<64x512xf32, #tpu.memory_space<hbm>>)
        tpu.yield
      }) : () -> ()
    }
    %scan3A_6 = arith.constant 16 : i32
    return
  }
}

module attributes {stable_mosaic.version = 14 : i64} {
  func.func @_stage1_kernel(%arg0: i32, %arg1: memref<1x2048x512xf32, #tpu.memory_space<vmem>>, %arg2: memref<1x2048x512xf32, #tpu.memory_space<vmem>>, %arg3: memref<1x1x512xf32, #tpu.memory_space<vmem>>, %arg4: memref<512x512xf32, #tpu.memory_space<vmem>>, %arg5: memref<512x512xf32, #tpu.memory_space<vmem>>, %arg6: memref<1x512xf32, #tpu.memory_space<vmem>>, %arg7: memref<1x512xf32, #tpu.memory_space<vmem>>, %arg8: memref<512x1024xf32, #tpu.memory_space<vmem>>, %arg9: memref<1x512xf32, #tpu.memory_space<vmem>>, %arg10: memref<1x1x8xi32, #tpu.memory_space<vmem>>, %arg11: memref<1x1x1024xi32, #tpu.memory_space<vmem>>) attributes {dimension_semantics = [#tpu.dimension_semantics<arbitrary>], iteration_bounds = array<i64: 32>, scalar_prefetch = 0 : i64, scratch_operands = 0 : i64, tpu.core_type = #tpu.core_type<tc>, window_params = [{transform_indices = @transform_0, window_bounds = array<i64: 1, 2048, 512>}, {transform_indices = @transform_1, window_bounds = array<i64: 1, 2048, 512>}, {transform_indices = @transform_2, window_bounds = array<i64: 1, 1, 512>}, {pipeline_mode = #tpu.pipeline_mode<synchronous>, transform_indices = @transform_3, window_bounds = array<i64: 512, 512>}, {pipeline_mode = #tpu.pipeline_mode<synchronous>, transform_indices = @transform_4, window_bounds = array<i64: 512, 512>}, {pipeline_mode = #tpu.pipeline_mode<synchronous>, transform_indices = @transform_5, window_bounds = array<i64: 1, 512>}, {pipeline_mode = #tpu.pipeline_mode<synchronous>, transform_indices = @transform_6, window_bounds = array<i64: 1, 512>}, {pipeline_mode = #tpu.pipeline_mode<synchronous>, transform_indices = @transform_7, window_bounds = array<i64: 512, 1024>}, {pipeline_mode = #tpu.pipeline_mode<synchronous>, transform_indices = @transform_8, window_bounds = array<i64: 1, 512>}, {transform_indices = @transform_9, window_bounds = array<i64: 1, 1, 8>}, {transform_indices = @transform_10, window_bounds = array<i64: 1, 1, 1024>}]} {
    %get3A = arith.constant 0 : index
    %get3A_0 = arith.constant 0 : index
    %get3A_1 = arith.constant 0 : index
    %get3A_2 = vector.load %arg1[%get3A, %get3A_0, %get3A_1] : memref<1x2048x512xf32, #tpu.memory_space<vmem>>, vector<1x2048x512xf32>
    %get3A_3 = vector.shape_cast %get3A_2 : vector<1x2048x512xf32> to vector<2048x512xf32>
    %reshape3A = vector.shape_cast %get3A_3 : vector<2048x512xf32> to vector<16x128x512xf32>
    %reduce_sum3A = arith.constant dense<0.000000e+00> : vector<16x512xf32>
    %reduce_sum3A_4 = vector.multi_reduction <add>, %reshape3A, %reduce_sum3A [1] : vector<16x128x512xf32> to vector<16x512xf32>
    %div3A = arith.constant 1.280000e+02 : f32
    %div3A_5 = vector.broadcast %div3A : f32 to vector<16x512xf32>
    %div3A_6 = arith.divf %reduce_sum3A_4, %div3A_5 : vector<16x512xf32>
    %get3A_7 = arith.constant 0 : index
    %get3A_8 = arith.constant 0 : index
    %get3A_9 = arith.constant 0 : index
    %get3A_10 = vector.load %arg2[%get3A_7, %get3A_8, %get3A_9] : memref<1x2048x512xf32, #tpu.memory_space<vmem>>, vector<1x2048x512xf32>
    %get3A_11 = vector.shape_cast %get3A_10 : vector<1x2048x512xf32> to vector<2048x512xf32>
    %reshape3A_12 = vector.shape_cast %get3A_11 : vector<2048x512xf32> to vector<16x128x512xf32>
    %reduce_sum3A_13 = arith.constant dense<0.000000e+00> : vector<16x512xf32>
    %reduce_sum3A_14 = vector.multi_reduction <add>, %reshape3A_12, %reduce_sum3A_13 [1] : vector<16x128x512xf32> to vector<16x512xf32>
    %div3A_15 = arith.constant 1.280000e+02 : f32
    %div3A_16 = vector.broadcast %div3A_15 : f32 to vector<16x512xf32>
    %div3A_17 = arith.divf %reduce_sum3A_14, %div3A_16 : vector<16x512xf32>
    %concatenate3A = tpu.concatenate %div3A_6, %div3A_17 in 1 : vector<16x512xf32>, vector<16x512xf32> -> vector<16x1024xf32>
    %tanh3A = math.tanh %concatenate3A : vector<16x1024xf32>
    %get3A_18 = arith.constant 0 : index
    %get3A_19 = arith.constant 0 : index
    %get3A_20 = vector.load %arg8[%get3A_18, %get3A_19] : memref<512x1024xf32, #tpu.memory_space<vmem>>, vector<512x1024xf32>
    %dot_general3A = arith.constant dense<0.000000e+00> : vector<16x512xf32>
    %dot_general3A_21 = tpu.matmul %tanh3A, %get3A_20, %dot_general3A {dimension_numbers = #tpu.dot_dimension_numbers<[1], [1], [0], [0], [0, 0, 1, 0], [], []>, transpose_lhs_hint = false} : vector<16x1024xf32>, vector<512x1024xf32>, vector<16x512xf32> -> vector<16x512xf32>
    %get3A_22 = arith.constant 0 : index
    %get3A_23 = arith.constant 0 : index
    %get3A_24 = vector.load %arg9[%get3A_22, %get3A_23] : memref<1x512xf32, #tpu.memory_space<vmem>>, vector<1x512xf32>
    %add3A = vector.broadcast %get3A_24 : vector<1x512xf32> to vector<16x512xf32>
    %add3A_25 = arith.addf %dot_general3A_21, %add3A : vector<16x512xf32>
    %get3A_26 = arith.constant 0 : index
    %get3A_27 = arith.constant 0 : index
    %get3A_28 = arith.constant 0 : index
    %get3A_29 = vector.load %arg3[%get3A_26, %get3A_27, %get3A_28] : memref<1x1x512xf32, #tpu.memory_space<vmem>>, vector<1x1x512xf32>
    %get3A_30 = vector.shape_cast %get3A_29 : vector<1x1x512xf32> to vector<1x512xf32>
    %get3A_31 = arith.constant 0 : index
    %get3A_32 = arith.constant 0 : index
    %get3A_33 = vector.load %arg4[%get3A_31, %get3A_32] : memref<512x512xf32, #tpu.memory_space<vmem>>, vector<512x512xf32>
    %dot_general3A_34 = arith.constant dense<0.000000e+00> : vector<1x512xf32>
    %dot_general3A_35 = tpu.matmul %get3A_30, %get3A_33, %dot_general3A_34 {dimension_numbers = #tpu.dot_dimension_numbers<[1], [1], [0], [0], [0, 0, 1, 0], [], []>, transpose_lhs_hint = false} : vector<1x512xf32>, vector<512x512xf32>, vector<1x512xf32> -> vector<1x512xf32>
    %get3A_36 = arith.constant 0 : index
    %get3A_37 = arith.constant 0 : index
    %get3A_38 = vector.load %arg6[%get3A_36, %get3A_37] : memref<1x512xf32, #tpu.memory_space<vmem>>, vector<1x512xf32>
    %add3A_39 = arith.addf %dot_general3A_35, %get3A_38 : vector<1x512xf32>
    %get3A_40 = arith.constant 0 : index
    %get3A_41 = arith.constant 0 : index
    %get3A_42 = vector.load %arg5[%get3A_40, %get3A_41] : memref<512x512xf32, #tpu.memory_space<vmem>>, vector<512x512xf32>
    %dot_general3A_43 = arith.constant dense<0.000000e+00> : vector<16x512xf32>
    %dot_general3A_44 = tpu.matmul %add3A_25, %get3A_42, %dot_general3A_43 {dimension_numbers = #tpu.dot_dimension_numbers<[1], [1], [0], [0], [0, 0, 1, 0], [], []>, transpose_lhs_hint = false} : vector<16x512xf32>, vector<512x512xf32>, vector<16x512xf32> -> vector<16x512xf32>
    %get3A_45 = arith.constant 0 : index
    %get3A_46 = arith.constant 0 : index
    %get3A_47 = vector.load %arg7[%get3A_45, %get3A_46] : memref<1x512xf32, #tpu.memory_space<vmem>>, vector<1x512xf32>
    %add3A_48 = vector.broadcast %get3A_47 : vector<1x512xf32> to vector<16x512xf32>
    %add3A_49 = arith.addf %dot_general3A_44, %add3A_48 : vector<16x512xf32>
    %reshape3A_50 = vector.shape_cast %add3A_39 : vector<1x512xf32> to vector<4x128xf32>
    %reshape3A_51 = vector.shape_cast %add3A_49 : vector<16x512xf32> to vector<16x4x128xf32>
    %broadcast_in_dim3A = vector.shape_cast %reshape3A_50 : vector<4x128xf32> to vector<1x4x128xf32>
    %mul3A = vector.broadcast %broadcast_in_dim3A : vector<1x4x128xf32> to vector<16x4x128xf32>
    %mul3A_52 = arith.mulf %reshape3A_51, %mul3A : vector<16x4x128xf32>
    %reduce_sum3A_53 = arith.constant dense<0.000000e+00> : vector<16x4xf32>
    %reduce_sum3A_54 = vector.multi_reduction <add>, %mul3A_52, %reduce_sum3A_53 [2] : vector<16x4x128xf32> to vector<16x4xf32>
    %div3A_55 = arith.constant 11.3137083 : f32
    %div3A_56 = vector.broadcast %div3A_55 : f32 to vector<16x4xf32>
    %div3A_57 = arith.divf %reduce_sum3A_54, %div3A_56 : vector<16x4xf32>
    %reduce_max3A = arith.constant dense<0xFF800000> : vector<4xf32>
    %reduce_max3A_58 = vector.multi_reduction <maximumf>, %div3A_57, %reduce_max3A [0] : vector<16x4xf32> to vector<4xf32>
    %broadcast_in_dim3A_59 = vector.shape_cast %reduce_max3A_58 : vector<4xf32> to vector<1x4xf32>
    %sub3A = vector.broadcast %broadcast_in_dim3A_59 : vector<1x4xf32> to vector<16x4xf32>
    %sub3A_60 = arith.subf %div3A_57, %sub3A : vector<16x4xf32>
    %exp3A = math.exp %sub3A_60 : vector<16x4xf32>
    %reduce_sum3A_61 = arith.constant dense<0.000000e+00> : vector<4xf32>
    %reduce_sum3A_62 = vector.multi_reduction <add>, %exp3A, %reduce_sum3A_61 [0] : vector<16x4xf32> to vector<4xf32>
    %broadcast_in_dim3A_63 = vector.shape_cast %reduce_sum3A_62 : vector<4xf32> to vector<1x4xf32>
    %div3A_64 = vector.broadcast %broadcast_in_dim3A_63 : vector<1x4xf32> to vector<16x4xf32>
    %div3A_65 = arith.divf %exp3A, %div3A_64 : vector<16x4xf32>
    %reduce_sum3A_66 = arith.constant dense<0.000000e+00> : vector<16xf32>
    %reduce_sum3A_67 = vector.multi_reduction <add>, %div3A_65, %reduce_sum3A_66 [1] : vector<16x4xf32> to vector<16xf32>
    %broadcast_in_dim3A_68 = vector.shape_cast %reduce_sum3A_67 : vector<16xf32> to vector<16x1xf32>
    %div3A_69 = arith.constant 4.000000e+00 : f32
    %div3A_70 = vector.broadcast %div3A_69 : f32 to vector<16x1xf32>
    %div3A_71 = arith.divf %broadcast_in_dim3A_68, %div3A_70 : vector<16x1xf32>
    %transpose3A = tpu.transpose %div3A_71, [1, 0] : vector<16x1xf32> -> vector<1x16xf32>
    %iota3A = tpu.iota {dimensions = array<i32: 0>} : vector<16x16xi32>
    %iota3A_72 = tpu.iota {dimensions = array<i32: 1>} : vector<16x16xi32>
    %gt3A = vector.broadcast %transpose3A : vector<1x16xf32> to vector<16x16xf32>
    %gt3A_73 = vector.broadcast %div3A_71 : vector<16x1xf32> to vector<16x16xf32>
    %gt3A_74 = arith.cmpf ogt, %gt3A, %gt3A_73 : vector<16x16xf32>
    %eq3A = vector.broadcast %transpose3A : vector<1x16xf32> to vector<16x16xf32>
    %eq3A_75 = vector.broadcast %div3A_71 : vector<16x1xf32> to vector<16x16xf32>
    %eq3A_76 = arith.cmpf oeq, %eq3A, %eq3A_75 : vector<16x16xf32>
    %gt3A_77 = arith.cmpi sgt, %iota3A_72, %iota3A : vector<16x16xi32>
    %and3A = arith.andi %eq3A_76, %gt3A_77 : vector<16x16xi1>
    %or3A = arith.ori %gt3A_74, %and3A : vector<16x16xi1>
    %convert_element_type3A = arith.extui %or3A : vector<16x16xi1> to vector<16x16xi32>
    %reduce_sum3A_78 = arith.constant dense<0> : vector<16xi32>
    %reduce_sum3A_79 = vector.multi_reduction <add>, %convert_element_type3A, %reduce_sum3A_78 [1] : vector<16x16xi32> to vector<16xi32>
    %broadcast_in_dim3A_80 = vector.shape_cast %reduce_sum3A_79 : vector<16xi32> to vector<16x1xi32>
    %convert_element_type3A_81 = arith.extui %or3A : vector<16x16xi1> to vector<16x16xi32>
    %reduce_sum3A_82 = arith.constant dense<0> : vector<16xi32>
    %reduce_sum3A_83 = vector.multi_reduction <add>, %convert_element_type3A_81, %reduce_sum3A_82 [0] : vector<16x16xi32> to vector<16xi32>
    %broadcast_in_dim3A_84 = vector.shape_cast %reduce_sum3A_83 : vector<16xi32> to vector<1x16xi32>
    %sub3A_85 = arith.constant 15 : i32
    %sub3A_86 = vector.broadcast %sub3A_85 : i32 to vector<1x16xi32>
    %sub3A_87 = arith.subi %sub3A_86, %broadcast_in_dim3A_84 : vector<1x16xi32>
    %lt3A = arith.constant 8 : i32
    %lt3A_88 = vector.broadcast %lt3A : i32 to vector<16x1xi32>
    %lt3A_89 = arith.cmpi slt, %broadcast_in_dim3A_80, %lt3A_88 : vector<16x1xi32>
    %lt3A_90 = arith.constant 8 : i32
    %lt3A_91 = vector.broadcast %lt3A_90 : i32 to vector<1x16xi32>
    %lt3A_92 = arith.cmpi slt, %sub3A_87, %lt3A_91 : vector<1x16xi32>
    %lt3A_93 = arith.cmpi slt, %iota3A_72, %iota3A : vector<16x16xi32>
    %and3A_94 = vector.broadcast %lt3A_92 : vector<1x16xi1> to vector<16x16xi1>
    %and3A_95 = arith.andi %and3A_94, %lt3A_93 : vector<16x16xi1>
    %convert_element_type3A_96 = arith.extui %and3A_95 : vector<16x16xi1> to vector<16x16xi32>
    %reduce_sum3A_97 = arith.constant dense<0> : vector<16xi32>
    %reduce_sum3A_98 = vector.multi_reduction <add>, %convert_element_type3A_96, %reduce_sum3A_97 [1] : vector<16x16xi32> to vector<16xi32>
    %broadcast_in_dim3A_99 = vector.shape_cast %reduce_sum3A_98 : vector<16xi32> to vector<16x1xi32>
    %iota3A_100 = tpu.iota {dimensions = array<i32: 1>} : vector<1x8xi32>
    %eq3A_101 = vector.broadcast %broadcast_in_dim3A_99 : vector<16x1xi32> to vector<16x8xi32>
    %eq3A_102 = vector.broadcast %iota3A_100 : vector<1x8xi32> to vector<16x8xi32>
    %eq3A_103 = arith.cmpi eq, %eq3A_101, %eq3A_102 : vector<16x8xi32>
    %and3A_104 = vector.broadcast %lt3A_89 : vector<16x1xi1> to vector<16x8xi1>
    %and3A_105 = arith.andi %and3A_104, %eq3A_103 : vector<16x8xi1>
    %iota3A_106 = tpu.iota {dimensions = array<i32: 0>} : vector<16x8xi32>
    %jit3A = arith.constant 0 : i32
    %broadcast_in_dim3A_107 = vector.broadcast %jit3A : i32 to vector<16x8xi32>
    %select_n3A = arith.select %and3A_105, %iota3A_106, %broadcast_in_dim3A_107 : vector<16x8xi1>, vector<16x8xi32>
    %reduce_sum3A_108 = arith.constant dense<0> : vector<8xi32>
    %reduce_sum3A_109 = vector.multi_reduction <add>, %select_n3A, %reduce_sum3A_108 [0] : vector<16x8xi32> to vector<8xi32>
    %broadcast_in_dim3A_110 = vector.shape_cast %reduce_sum3A_109 : vector<8xi32> to vector<1x8xi32>
    %swap3A = arith.constant 0 : index
    %swap3A_111 = arith.constant 0 : index
    %swap3A_112 = arith.constant 0 : index
    %swap3A_113 = vector.load %arg10[%swap3A, %swap3A_111, %swap3A_112] : memref<1x1x8xi32, #tpu.memory_space<vmem>>, vector<1x1x8xi32>
    %swap3A_114 = vector.shape_cast %swap3A_113 : vector<1x1x8xi32> to vector<1x8xi32>
    %swap3A_115 = vector.shape_cast %broadcast_in_dim3A_110 : vector<1x8xi32> to vector<1x1x8xi32>
    tpu.vector_store %arg10[%swap3A, %swap3A_111, %swap3A_112], %swap3A_115 {strides = array<i32>} : memref<1x1x8xi32, #tpu.memory_space<vmem>>, vector<1x1x8xi32>,
    %iota3A_116 = tpu.iota {dimensions = array<i32: 1>} : vector<1x1024xi32>
    %jit3A_117 = arith.constant 128 : i32
    %div3A_118 = vector.broadcast %jit3A_117 : i32 to vector<1x1024xi32>
    %div3A_119 = arith.divsi %iota3A_116, %div3A_118 : vector<1x1024xi32>
    %sign3A = arith.constant 0 : i32
    %sign3A_120 = vector.broadcast %sign3A : i32 to vector<1x1024xi32>
    %sign3A_121 = arith.cmpi sgt, %iota3A_116, %sign3A_120 : vector<1x1024xi32>
    %sign3A_122 = arith.extui %sign3A_121 : vector<1x1024xi1> to vector<1x1024xi32>
    %sign3A_123 = arith.constant 0 : i32
    %sign3A_124 = vector.broadcast %sign3A_123 : i32 to vector<1x1024xi32>
    %sign3A_125 = arith.cmpi slt, %iota3A_116, %sign3A_124 : vector<1x1024xi32>
    %sign3A_126 = arith.extui %sign3A_125 : vector<1x1024xi1> to vector<1x1024xi32>
    %sign3A_127 = arith.subi %sign3A_122, %sign3A_126 : vector<1x1024xi32>
    %sign3A_128 = arith.constant 0 : i32
    %sign3A_129 = arith.cmpi sgt, %jit3A_117, %sign3A_128 : i32
    %sign3A_130 = arith.extui %sign3A_129 : i1 to i32
    %sign3A_131 = arith.constant 0 : i32
    %sign3A_132 = arith.cmpi slt, %jit3A_117, %sign3A_131 : i32
    %sign3A_133 = arith.extui %sign3A_132 : i1 to i32
    %sign3A_134 = arith.subi %sign3A_130, %sign3A_133 : i32
    %ne3A = vector.broadcast %sign3A_134 : i32 to vector<1x1024xi32>
    %ne3A_135 = arith.cmpi ne, %sign3A_127, %ne3A : vector<1x1024xi32>
    %rem3A = vector.broadcast %jit3A_117 : i32 to vector<1x1024xi32>
    %rem3A_136 = arith.remsi %iota3A_116, %rem3A : vector<1x1024xi32>
    %ne3A_137 = arith.constant 0 : i32
    %ne3A_138 = vector.broadcast %ne3A_137 : i32 to vector<1x1024xi32>
    %ne3A_139 = arith.cmpi ne, %rem3A_136, %ne3A_138 : vector<1x1024xi32>
    %and3A_140 = arith.andi %ne3A_135, %ne3A_139 : vector<1x1024xi1>
    %sub3A_141 = arith.constant 1 : i32
    %sub3A_142 = vector.broadcast %sub3A_141 : i32 to vector<1x1024xi32>
    %sub3A_143 = arith.subi %div3A_119, %sub3A_142 : vector<1x1024xi32>
    %select_n3A_144 = arith.select %and3A_140, %sub3A_143, %div3A_119 : vector<1x1024xi1>, vector<1x1024xi32>
    %broadcast_in_dim3A_145 = arith.constant 0 : i32
    %broadcast_in_dim3A_146 = vector.broadcast %broadcast_in_dim3A_145 : i32 to vector<1x1024xi32>
    %eq3A_147 = arith.constant 0 : i32
    %eq3A_148 = vector.broadcast %eq3A_147 : i32 to vector<1x1024xi32>
    %eq3A_149 = arith.cmpi eq, %select_n3A_144, %eq3A_148 : vector<1x1024xi32>
    %slice3A = vector.extract_strided_slice %broadcast_in_dim3A_110 {offsets = [0, 0], sizes = [1, 1], strides = [1, 1]} : vector<1x8xi32> to vector<1x1xi32>
    %squeeze3A = vector.extract %slice3A[0, 0] : i32 from vector<1x1xi32>
    %broadcast_in_dim3A_150 = vector.broadcast %squeeze3A : i32 to vector<1x1024xi32>
    %select_n3A_151 = arith.select %eq3A_149, %broadcast_in_dim3A_150, %broadcast_in_dim3A_146 : vector<1x1024xi1>, vector<1x1024xi32>
    %eq3A_152 = arith.constant 1 : i32
    %eq3A_153 = vector.broadcast %eq3A_152 : i32 to vector<1x1024xi32>
    %eq3A_154 = arith.cmpi eq, %select_n3A_144, %eq3A_153 : vector<1x1024xi32>
    %slice3A_155 = vector.extract_strided_slice %broadcast_in_dim3A_110 {offsets = [0, 1], sizes = [1, 1], strides = [1, 1]} : vector<1x8xi32> to vector<1x1xi32>
    %squeeze3A_156 = vector.extract %slice3A_155[0, 0] : i32 from vector<1x1xi32>
    %broadcast_in_dim3A_157 = vector.broadcast %squeeze3A_156 : i32 to vector<1x1024xi32>
    %select_n3A_158 = arith.select %eq3A_154, %broadcast_in_dim3A_157, %select_n3A_151 : vector<1x1024xi1>, vector<1x1024xi32>
    %eq3A_159 = arith.constant 2 : i32
    %eq3A_160 = vector.broadcast %eq3A_159 : i32 to vector<1x1024xi32>
    %eq3A_161 = arith.cmpi eq, %select_n3A_144, %eq3A_160 : vector<1x1024xi32>
    %slice3A_162 = vector.extract_strided_slice %broadcast_in_dim3A_110 {offsets = [0, 2], sizes = [1, 1], strides = [1, 1]} : vector<1x8xi32> to vector<1x1xi32>
    %squeeze3A_163 = vector.extract %slice3A_162[0, 0] : i32 from vector<1x1xi32>
    %broadcast_in_dim3A_164 = vector.broadcast %squeeze3A_163 : i32 to vector<1x1024xi32>
    %select_n3A_165 = arith.select %eq3A_161, %broadcast_in_dim3A_164, %select_n3A_158 : vector<1x1024xi1>, vector<1x1024xi32>
    %eq3A_166 = arith.constant 3 : i32
    %eq3A_167 = vector.broadcast %eq3A_166 : i32 to vector<1x1024xi32>
    %eq3A_168 = arith.cmpi eq, %select_n3A_144, %eq3A_167 : vector<1x1024xi32>
    %slice3A_169 = vector.extract_strided_slice %broadcast_in_dim3A_110 {offsets = [0, 3], sizes = [1, 1], strides = [1, 1]} : vector<1x8xi32> to vector<1x1xi32>
    %squeeze3A_170 = vector.extract %slice3A_169[0, 0] : i32 from vector<1x1xi32>
    %broadcast_in_dim3A_171 = vector.broadcast %squeeze3A_170 : i32 to vector<1x1024xi32>
    %select_n3A_172 = arith.select %eq3A_168, %broadcast_in_dim3A_171, %select_n3A_165 : vector<1x1024xi1>, vector<1x1024xi32>
    %eq3A_173 = arith.constant 4 : i32
    %eq3A_174 = vector.broadcast %eq3A_173 : i32 to vector<1x1024xi32>
    %eq3A_175 = arith.cmpi eq, %select_n3A_144, %eq3A_174 : vector<1x1024xi32>
    %slice3A_176 = vector.extract_strided_slice %broadcast_in_dim3A_110 {offsets = [0, 4], sizes = [1, 1], strides = [1, 1]} : vector<1x8xi32> to vector<1x1xi32>
    %squeeze3A_177 = vector.extract %slice3A_176[0, 0] : i32 from vector<1x1xi32>
    %broadcast_in_dim3A_178 = vector.broadcast %squeeze3A_177 : i32 to vector<1x1024xi32>
    %select_n3A_179 = arith.select %eq3A_175, %broadcast_in_dim3A_178, %select_n3A_172 : vector<1x1024xi1>, vector<1x1024xi32>
    %eq3A_180 = arith.constant 5 : i32
    %eq3A_181 = vector.broadcast %eq3A_180 : i32 to vector<1x1024xi32>
    %eq3A_182 = arith.cmpi eq, %select_n3A_144, %eq3A_181 : vector<1x1024xi32>
    %slice3A_183 = vector.extract_strided_slice %broadcast_in_dim3A_110 {offsets = [0, 5], sizes = [1, 1], strides = [1, 1]} : vector<1x8xi32> to vector<1x1xi32>
    %squeeze3A_184 = vector.extract %slice3A_183[0, 0] : i32 from vector<1x1xi32>
    %broadcast_in_dim3A_185 = vector.broadcast %squeeze3A_184 : i32 to vector<1x1024xi32>
    %select_n3A_186 = arith.select %eq3A_182, %broadcast_in_dim3A_185, %select_n3A_179 : vector<1x1024xi1>, vector<1x1024xi32>
    %eq3A_187 = arith.constant 6 : i32
    %eq3A_188 = vector.broadcast %eq3A_187 : i32 to vector<1x1024xi32>
    %eq3A_189 = arith.cmpi eq, %select_n3A_144, %eq3A_188 : vector<1x1024xi32>
    %slice3A_190 = vector.extract_strided_slice %broadcast_in_dim3A_110 {offsets = [0, 6], sizes = [1, 1], strides = [1, 1]} : vector<1x8xi32> to vector<1x1xi32>
    %squeeze3A_191 = vector.extract %slice3A_190[0, 0] : i32 from vector<1x1xi32>
    %broadcast_in_dim3A_192 = vector.broadcast %squeeze3A_191 : i32 to vector<1x1024xi32>
    %select_n3A_193 = arith.select %eq3A_189, %broadcast_in_dim3A_192, %select_n3A_186 : vector<1x1024xi1>, vector<1x1024xi32>
    %eq3A_194 = arith.constant 7 : i32
    %eq3A_195 = vector.broadcast %eq3A_194 : i32 to vector<1x1024xi32>
    %eq3A_196 = arith.cmpi eq, %select_n3A_144, %eq3A_195 : vector<1x1024xi32>
    %slice3A_197 = vector.extract_strided_slice %broadcast_in_dim3A_110 {offsets = [0, 7], sizes = [1, 1], strides = [1, 1]} : vector<1x8xi32> to vector<1x1xi32>
    %squeeze3A_198 = vector.extract %slice3A_197[0, 0] : i32 from vector<1x1xi32>
    %broadcast_in_dim3A_199 = vector.broadcast %squeeze3A_198 : i32 to vector<1x1024xi32>
    %select_n3A_200 = arith.select %eq3A_196, %broadcast_in_dim3A_199, %select_n3A_193 : vector<1x1024xi1>, vector<1x1024xi32>
    %mul3A_201 = arith.constant 2048 : i32
    %mul3A_202 = arith.muli %arg0, %mul3A_201 : i32
    %mul3A_203 = arith.constant 128 : i32
    %mul3A_204 = vector.broadcast %mul3A_203 : i32 to vector<1x1024xi32>
    %mul3A_205 = arith.muli %select_n3A_200, %mul3A_204 : vector<1x1024xi32>
    %add3A_206 = vector.broadcast %mul3A_202 : i32 to vector<1x1024xi32>
    %add3A_207 = arith.addi %add3A_206, %mul3A_205 : vector<1x1024xi32>
    %jit3A_208 = arith.constant 128 : i32
    %eq3A_209 = arith.constant 0 : i32
    %eq3A_210 = arith.cmpi eq, %jit3A_208, %eq3A_209 : i32
    %jit3A_211 = arith.constant 1 : i32
    %select_n3A_212 = arith.select %eq3A_210, %jit3A_211, %jit3A_208 : i32
    %rem3A_213 = vector.broadcast %select_n3A_212 : i32 to vector<1x1024xi32>
    %rem3A_214 = arith.remsi %iota3A_116, %rem3A_213 : vector<1x1024xi32>
    %ne3A_215 = arith.constant 0 : i32
    %ne3A_216 = vector.broadcast %ne3A_215 : i32 to vector<1x1024xi32>
    %ne3A_217 = arith.cmpi ne, %rem3A_214, %ne3A_216 : vector<1x1024xi32>
    %lt3A_218 = arith.constant 0 : i32
    %lt3A_219 = vector.broadcast %lt3A_218 : i32 to vector<1x1024xi32>
    %lt3A_220 = arith.cmpi slt, %rem3A_214, %lt3A_219 : vector<1x1024xi32>
    %lt3A_221 = arith.constant 0 : i32
    %lt3A_222 = arith.cmpi slt, %select_n3A_212, %lt3A_221 : i32
    %ne3A_223 = vector.broadcast %lt3A_222 : i1 to vector<1x1024xi1>
    %ne3A_224 = vector.broadcast %ne3A_223 : vector<1x1024xi1> to vector<1x1024xi1>
    %ne3A_225 = arith.xori %lt3A_220, %ne3A_224 : vector<1x1024xi1>
    %and3A_226 = arith.andi %ne3A_225, %ne3A_217 : vector<1x1024xi1>
    %add3A_227 = vector.broadcast %select_n3A_212 : i32 to vector<1x1024xi32>
    %add3A_228 = arith.addi %rem3A_214, %add3A_227 : vector<1x1024xi32>
    %select_n3A_229 = arith.select %and3A_226, %add3A_228, %rem3A_214 : vector<1x1024xi1>, vector<1x1024xi32>
    %add3A_230 = arith.addi %add3A_207, %select_n3A_229 : vector<1x1024xi32>
    %swap3A_231 = arith.constant 0 : index
    %swap3A_232 = arith.constant 0 : index
    %swap3A_233 = arith.constant 0 : index
    %swap3A_234 = vector.load %arg11[%swap3A_231, %swap3A_232, %swap3A_233] : memref<1x1x1024xi32, #tpu.memory_space<vmem>>, vector<1x1x1024xi32>
    %swap3A_235 = vector.shape_cast %swap3A_234 : vector<1x1x1024xi32> to vector<1x1024xi32>
    %swap3A_236 = vector.shape_cast %add3A_230 : vector<1x1024xi32> to vector<1x1x1024xi32>
    tpu.vector_store %arg11[%swap3A_231, %swap3A_232, %swap3A_233], %swap3A_236 {strides = array<i32>} : memref<1x1x1024xi32, #tpu.memory_space<vmem>>, vector<1x1x1024xi32>,
    return
  }
  func.func @transform_0(%arg0: i32) -> (i32, i32, i32) {
    %c0_i32 = arith.constant 0 : i32
    %c0_i32_0 = arith.constant 0 : i32
    %c0_i32_1 = arith.constant 0 : i32
    return %arg0, %c0_i32, %c0_i32_0 : i32, i32, i32
  }
  func.func @transform_1(%arg0: i32) -> (i32, i32, i32) {
    %c0_i32 = arith.constant 0 : i32
    %c0_i32_0 = arith.constant 0 : i32
    %c0_i32_1 = arith.constant 0 : i32
    return %arg0, %c0_i32, %c0_i32_0 : i32, i32, i32
  }
  func.func @transform_2(%arg0: i32) -> (i32, i32, i32) {
    %c0_i32 = arith.constant 0 : i32
    %c0_i32_0 = arith.constant 0 : i32
    %c0_i32_1 = arith.constant 0 : i32
    return %arg0, %c0_i32, %c0_i32_0 : i32, i32, i32
  }
  func.func @transform_3(%arg0: i32) -> (i32, i32) {
    %c0_i32 = arith.constant 0 : i32
    %c0_i32_0 = arith.constant 0 : i32
    %c0_i32_1 = arith.constant 0 : i32
    return %c0_i32, %c0_i32_0 : i32, i32
  }
  func.func @transform_4(%arg0: i32) -> (i32, i32) {
    %c0_i32 = arith.constant 0 : i32
    %c0_i32_0 = arith.constant 0 : i32
    %c0_i32_1 = arith.constant 0 : i32
    return %c0_i32, %c0_i32_0 : i32, i32
  }
  func.func @transform_5(%arg0: i32) -> (i32, i32) {
    %c0_i32 = arith.constant 0 : i32
    %c0_i32_0 = arith.constant 0 : i32
    %c0_i32_1 = arith.constant 0 : i32
    return %c0_i32, %c0_i32_0 : i32, i32
  }
  func.func @transform_6(%arg0: i32) -> (i32, i32) {
    %c0_i32 = arith.constant 0 : i32
    %c0_i32_0 = arith.constant 0 : i32
    %c0_i32_1 = arith.constant 0 : i32
    return %c0_i32, %c0_i32_0 : i32, i32
  }
  func.func @transform_7(%arg0: i32) -> (i32, i32) {
    %c0_i32 = arith.constant 0 : i32
    %c0_i32_0 = arith.constant 0 : i32
    %c0_i32_1 = arith.constant 0 : i32
    return %c0_i32, %c0_i32_0 : i32, i32
  }
  func.func @transform_8(%arg0: i32) -> (i32, i32) {
    %c0_i32 = arith.constant 0 : i32
    %c0_i32_0 = arith.constant 0 : i32
    %c0_i32_1 = arith.constant 0 : i32
    return %c0_i32, %c0_i32_0 : i32, i32
  }
  func.func @transform_9(%arg0: i32) -> (i32, i32, i32) {
    %c0_i32 = arith.constant 0 : i32
    %c0_i32_0 = arith.constant 0 : i32
    %c0_i32_1 = arith.constant 0 : i32
    return %arg0, %c0_i32, %c0_i32_0 : i32, i32, i32
  }
  func.func @transform_10(%arg0: i32) -> (i32, i32, i32) {
    %c0_i32 = arith.constant 0 : i32
    %c0_i32_0 = arith.constant 0 : i32
    %c0_i32_1 = arith.constant 0 : i32
    return %arg0, %c0_i32, %c0_i32_0 : i32, i32, i32
  }
}

</mosaic_0001>

<sc_bundles>
// kernel: kernel.4.cloned.1.call-start
scs
__scs_entry_jumppad:
0x0: {  	(pc) =	sbr.rel $0x88, $3  }
0x1: {  	(tag) =	ssettag $0x0;
	lr =	simm.s32 $0x1  }
0x2: {  	[smem:$0x3F9A] =	sst lr;
	_ =	strace $0xD0000000  }
0x3: {  	_ = 	snop  }
0x4: {  	_ = 	snop  }
0x5: {  	_ = 	snop  }
0x6: {  	_ = 	snop  }
0x7: {  	_ = 	snop  }
__scs_overlays_trampoline_lowered:
0x8: {  	[smem:$0x3FA9] =	sst s0  }
0x9: {  	[smem:$0x3FAA] =	sst s1  }
0xa: {  	[smem:$0x3FAB] =	sst s2  }
0xb: {  	[smem:$0x3FAC] =	sst s3  }
0xc: {  	[smem:$0x3FAD] =	sst s4  }
0xd: {  	[smem:$0x3FAE] =	sst s5  }
0xe: {  	[smem:$0x3FAF] =	sst s6  }
0xf: {  	[smem:$0x3FB0] =	sst s7  }
0x10: {  	[smem:$0x3FB1] =	sst s8  }
0x11: {  	[smem:$0x3FB2] =	sst s9;
	s0 =	simm.s32 @!p0 $0x0  }
0x12: {  	s1 =	sld [smem:$0x3F98];
	s0 =	simm.s32 @p0 $0x1  }
0x13: {  	[smem:$0x3FB3] =	sst s0;
	s0 =	simm.s32 @!p1 $0x0  }
0x14: {  	s2 =	sld [smem:$0x3F97];
	s0 =	simm.s32 @p1 $0x1  }
0x15: {  	[smem:$0x3FB4] =	sst s0;
	s0 =	simm.s32 @!p2 $0x0  }
0x16: {  	s3 =	sld [smem:$0x3FDB];
	s0 =	simm.s32 @p2 $0x1  }
0x17: {  	s4 =	simm.s32 $0x1BF5;
	[smem:$0x3FB6] =	sst s0  }
0x18: {  	s0 =	sld [smem:$0x3F99];
	_ =	swait.ge [sflag:s4], $0x0  }
0x19: {  	s7 =	sld [smem:$0x3F9A]  }
0x1a: {  	s8 =	sadd.s32 $0xFFFFE003, lr  }
0x1b: {  	s9 =	sadd.s32 $0xFFFFFEF7, lr;
	s5 =	simm.s32 $0xFFFFFFFF;
	p2 =	slt.u32 s8, $0xFFFFF086  }
0x1c: {  	p1 =	slt.u32 s9, $0xF7A;
	s5 =	simm.s32 @!p2 $0x0  }
0x1d: {  	s5 =	simm.s32 @p1 $0x1;
	p0 =	seq.s32 s7, s2  }
0x1e: {  	s7 =	smul.u32 @!p0 $0xF7A, s2;
	p2 =	seq.s32 @!p0 s5, $0x0  }
0x1f: {  	s9 =	smul.u32 $0xF7A, s1;
	s8 =	simm.s32 @!p0 $0x1BF5;
	p2 =	por !p2, p0  }
0x20: {  	[sflag:s8] =	ssyncset.s32 @!p0 $0xFFFFF086;
	s6 =	sadd.s32 @!p0 s3, s7;
	s7 =	simm.s32 @!p0 $0x108  }
0x21: {  	s3 =	sadd.s32 s3, s9;
	s6 =	sadd.s32 @!p0 $0x88, s6;
	s7 =	simm.s32 @p2 $0x1082  }
0x22: {  	[simem:s7], [sflag:s8] =	dma.local @!p0 [hbm:s6], $0xF7A  }
0x23: {  	s9 =	sor.u32 $0xD0000000, s2;
	s6 =	simm.s32 $0x108;
	_ =	swait.ge @!p0 [sflag:s8], $0x0  }
0x24: {  	s3 =	sadd.s32 $0x88, s3;
	s6 =	simm.s32 @!p1 $0x1082;
	[sflag:s4] =	ssyncset.s32 $0xFFFFF086  }
0x25: {  	[simem:s6], [sflag:s4] =	dma.local [hbm:s3], $0xF7A  }
0x26: {  	[smem:$0x3F9A] =	sst s1;
	(tag) =	ssettag s2;
	_ =	strace s9  }
0x27: {  	s1 =	sld [smem:$0x3FAA]  }
0x28: {  	s2 =	sld [smem:$0x3FAB]  }
0x29: {  	s4 =	sld [smem:$0x3FAD]  }
0x2a: {  	p0 =	seq.s32 s5, $0x0;
	s5 =	sld [smem:$0x3FAE]  }
0x2b: {  	s6 =	sld [smem:$0x3FAF]  }
0x2c: {  	s7 =	sld [smem:$0x3FB0]  }
0x2d: {  	s3 =	simm.s32 $0x108;
	s8 =	sld [smem:$0x3FB1]  }
0x2e: {  	s3 =	simm.s32 @!p0 $0x1082;
	s9 =	sld [smem:$0x3FB2]  }
0x2f: {  	lr =	sadd.s32 s0, s3;
	s0 =	sld [smem:$0x3FA9]  }
0x30: {  	s3 =	sld [smem:$0x3FAC]  }
0x31: {  	[smem:$0x3FB5] =	sst s10  }
0x32: {  	s10 =	sld [smem:$0x3FB3];
	_ =	sdelay $0x3  }
0x33: {  	p0 =	seq.s32 s10, $0x1;
	s10 =	sld [smem:$0x3FB5];
	_ =	sdelay $0x3  }
0x34: {  	[smem:$0x3FB5] =	sst s10  }
0x35: {  	s10 =	sld [smem:$0x3FB4];
	_ =	sdelay $0x3  }
0x36: {  	p1 =	seq.s32 s10, $0x1;
	s10 =	sld [smem:$0x3FB5];
	_ =	sdelay $0x3  }
0x37: {  	[smem:$0x3FB5] =	sst s10  }
0x38: {  	s10 =	sld [smem:$0x3FB6]  }
0x39: {  	_ = 	snop;
	(pc) =	sbr.ind lr, $3  }
0x3a: {  	_ = 	snop  }
0x3b: {  	_ = 	snop  }
0x3c: {  	p2 =	seq.s32 s10, $0x1;
	s10 =	sld [smem:$0x3FB5]  }
0x3d: {  	_ =	shalt  }
0x3e: {  	_ =	shalt  }
0x3f: {  	_ =	shalt  }
0x40: {  	_ =	shalt  }
0x41: {  	_ =	shalt  }
0x42: {  	_ =	shalt  }
0x43: {  	_ =	shalt  }
0x44: {  	_ =	shalt  }
0x45: {  	_ =	shalt  }
0x46: {  	_ =	shalt  }
0x47: {  	_ =	shalt  }
0x48: {  	_ =	shalt  }
0x49: {  	_ =	shalt  }
0x4a: {  	_ =	shalt  }
0x4b: {  	_ =	shalt  }
0x4c: {  	_ =	shalt  }
0x4d: {  	_ =	shalt  }
0x4e: {  	_ =	shalt  }
0x4f: {  	_ =	shalt  }
0x50: {  	_ =	shalt  }
0x51: {  	_ =	shalt  }
0x52: {  	_ =	shalt  }
0x53: {  	_ =	shalt  }
0x54: {  	_ =	shalt  }
0x55: {  	_ =	shalt  }
0x56: {  	_ =	shalt  }
0x57: {  	_ =	shalt  }
0x58: {  	_ =	shalt  }
0x59: {  	_ =	shalt  }
0x5a: {  	_ =	shalt  }
0x5b: {  	_ =	shalt  }
0x5c: {  	_ =	shalt  }
0x5d: {  	_ =	shalt  }
0x5e: {  	_ =	shalt  }
0x5f: {  	_ =	shalt  }
0x60: {  	_ =	shalt  }
0x61: {  	_ =	shalt  }
0x62: {  	_ =	shalt  }
0x63: {  	_ =	shalt  }
0x64: {  	_ =	shalt  }
0x65: {  	_ =	shalt  }
0x66: {  	_ =	shalt  }
0x67: {  	_ =	shalt  }
0x68: {  	_ =	shalt  }
0x69: {  	_ =	shalt  }
0x6a: {  	_ =	shalt  }
0x6b: {  	_ =	shalt  }
0x6c: {  	_ =	shalt  }
0x6d: {  	_ =	shalt  }
0x6e: {  	_ =	shalt  }
0x6f: {  	_ =	shalt  }
0x70: {  	_ =	shalt  }
0x71: {  	_ =	shalt  }
0x72: {  	_ =	shalt  }
0x73: {  	_ =	shalt  }
0x74: {  	_ =	shalt  }
0x75: {  	_ =	shalt  }
0x76: {  	_ =	shalt  }
0x77: {  	_ =	shalt  }
0x78: {  	_ =	shalt  }
0x79: {  	_ =	shalt  }
0x7a: {  	_ =	shalt  }
0x7b: {  	_ =	shalt  }
0x7c: {  	_ =	shalt  }
0x7d: {  	_ =	shalt  }
0x7e: {  	_ =	shalt  }
0x7f: {  	_ =	shalt  }
0x80: {  	_ =	shalt  }
0x81: {  	_ =	shalt  }
0x82: {  	_ =	shalt  }
0x83: {  	_ =	shalt  }
0x84: {  	_ =	shalt  }
0x85: {  	_ =	shalt  }
0x86: {  	_ =	shalt  }
0x87: {  	_ =	shalt  }
.Lfunc_end0:
.L_simem_size_0:
called_computation_lowered:
.L_overlay_start_0:
0x88: {  	s2 =	sld [smem:$0x3FD9]  }
0x89: {  	s3 =	sld [smem:$0x3FFE];
	_ =	sdelay $0x1  }
0x8a: {  	s1 =	srdreg.scid  }
0x8b: {  	s0 =	sand.u32 $0x1, s1  }
0x8c: {  	s14 =	sshll.u32 s0, $0xA;
	s2 =	sadd.s32 s3, s2  }
0x8d: {  	s2 =	sadd.s32 s2, s14  }
0x8e: {  	[smem:$0x3FC1] =	sst s2  }
0x8f: {  	_ = 	snop  }
0x90: {  	s2 =	sld [smem:$0x3FD0];
	_ =	sdelay $0x1  }
0x91: {  	s15 =	sld [smem:$0x3FC9]  }
0x92: {  	s5 =	simm.s32 $0xA;
	s6 =	simm.s32 $0x10;
	s4 =	sld [smem:$0x3FC8]  }
0x93: {  	[smem:s6], [sflag:s5] =	dma.local [hbm:s2], $0x1  }
0x94: {  	_ =	swait.eq [sflag:s5], $0x1  }
0x95: {  	[sflag:s5] =	ssyncset.done $0x0  }
0x96: {  	s16 =	sld [smem:$0x10];
	[sflag:s5] =	ssyncadd.s32 $0xFFFFFFFF  }
0x97: {  	s17 =	sld [smem:$0x11];
	(tm) =	ssettm $0x1  }
0x98: {  	s18 =	sld [smem:$0x3FFB];
	_ =	sdelay $0x3  }
0x99: {  	_ =	strace s18  }
0x9a: {  	s6 =	sld [smem:$0x3FFC];
	_ =	sdelay $0x3  }
0x9b: {  	_ =	strace s6  }
0x9c: {  	s6 =	sld [smem:$0x3FFD];
	_ =	sdelay $0x3  }
0x9d: {  	_ =	strace s6  }
0x9e: {  	_ =	strace $0x8FFFFFFF  }
0x9f: {  	s19 =	sld [smem:$0x3FDB];
	_ =	sdelay $0x1  }
0xa0: {  	s7 =	simm.s32 $_scs_section_size  }
0xa1: {  	s8 =	simm.s32 $_size__tile_overlayer_lowered;
	s9 =	simm.s32 $_tile_overlayer_lowered  }
0xa2: {  	s22 =	simm.s32 $0x1BFF;
	s21 =	sshll.u32 s9, $0x1;
	s6 =	sadd.s32 s7, s19  }
0xa3: {  	s10 =	simm.s32 $0x0;
	s20 =	sshll.u32 s8, $0x1;
	s8 =	sadd.s32 s21, s6  }
0xa4: {  	[timem:s10], [sflag:s22] =	dma.local [hbm:s8], s20  }
0xa5: {  	_ =	swait.ge [sflag:s22], s20  }
0xa6: {  	s7 =	ssub.s32 $0x0, s20;
	[sflag:s22] =	ssyncset.done $0x0  }
0xa7: {  	[sflag:s22] =	ssyncadd.s32 s7;
	_ =	sdelay $0x1  }
0xa8: {  	s23 =	simm.s32 $0x1B8B  }
0xa9: {  	_ =	swait.ge [sflag:s23], $0x1  }
0xaa: {  	[sflag:s23] =	ssyncset.done $0x0  }
0xab: {  	s25 =	simm.s32 $0x1B8E;
	s24 =	sld [smem:$0x3FFE];
	[sflag:s23] =	ssyncadd.s32 $0xFFFFFFFF  }
0xac: {  	s26 =	simm.s32 $execute0_lowered;
	[smem:$0x3FD2] =	sst s25  }
0xad: {  	s8 =	sshll.u32 s26, $0x1;
	_ =	strace $0x80000046;
	[dreg:$0x1] =	wrdreg $0xFFFFFFFF  }
0xae: {  	s28 =	simm.s32 $_size_execute0_lowered;
	s6 =	sadd.s32 s6, s8;
	[dreg:$0x0] =	wrdreg $0x0  }
0xaf: {  	s8 =	sshll.u32 s28, $0x1;
	[dreg:$0x2] =	wrdreg s6  }
0xb0: {  	[dreg:$0x3] =	wrdreg s8  }
0xb1: {  	[dreg:$0x4] =	wrdreg $0xC0  }
0xb2: {  	_ =	task [dreg:s10], $0x5FFFF  }
0xb3: {  	[dreg:$0x1] =	wrdreg $0xFFFFFFFF  }
0xb4: {  	[dreg:$0x0] =	wrdreg $0x60  }
0xb5: {  	[dreg:$0x2] =	wrdreg s24  }
0xb6: {  	[dreg:$0x3] =	wrdreg s15  }
0xb7: {  	[dreg:$0x4] =	wrdreg s4  }
0xb8: {  	[dreg:$0x5] =	wrdreg s16  }
0xb9: {  	[dreg:$0x6] =	wrdreg s17  }
0xba: {  	[dreg:$0x7] =	wrdreg $0x9  }
0xbb: {  	_ =	task.clear_ibuf [dreg:s10], $0x8FFFF;
	_ =	strace $0x90000046  }
0xbc: {  	s29 =	simm.s32 $0x9;
	_ =	strace $0x80000048  }
0xbd: {  	_ =	swait.ge [sflag:s29], $0x1  }
0xbe: {  	[sflag:s29] =	ssyncadd.s32 $0xFFFFFFFF  }
0xbf: {  	_ =	strace $0x90000048  }
0xc0: {  	_ =	sfence  }
0xc1: {  	s30 =	sld [smem:$0x0];
	_ =	sdelay $0x2  }
0xc2: {  	s31 =	sshll.u32 s1, $0xD;
	s1 =	sshrl.u32 s1, $0x2  }
0xc3: {  	s3 =	sand.u32 $0x4000, s31;
	s1 =	sadd.s32 s1, s30  }
0xc4: {  	s0 =	sor.u32 s3, s0;
	s1 =	sshll.u32 s1, $0x11  }
0xc5: {  	s0 =	sor.u32 s1, s0  }
0xc6: {  	s0 =	sadd.s32 $0x8F2B, s0  }
0xc7: {  	[sflag:s0] =	ssyncadd.remote.s32 $0x1  }
0xc8: {  	_ =	sfence.sel $0xFFFF  }
0xc9: {  	[dreg:$0x0] =	wrdreg $0xFFFFFFFF;
	(pc) =	sbr.abs _section_cstart, $3  }
0xca: {  	[dreg:$0x1] =	wrdreg $0xFFFFFFFF  }
0xcb: {  	_ =	task.clear_ibuf [dreg:s10], $0x2FFFF;
	_ =	strace $0x9FFFFFFF  }
0xcc: {  	(tm) =	ssettm $0x7FFFFFFF  }
0xcd: {  	_ =	shalt  }
tec
execute0_lowered:
.L_overlay_start_1:
0x0: {  	(tag) =	ssettag $0x1  }
0x1: {  	s0 =	rddreg [dreg:$0x0]  }
0x2: {  	s1 =	rddreg [dreg:$0x1]  }
0x3: {  	s2 =	rddreg [dreg:$0x2]  }
0x4: {  	s5 =	rddreg [dreg:$0x3]  }
0x5: {  	s6 =	rddreg [dreg:$0x4];
	s4 =	simm.s32 $0x0  }
0x6: {  	s10 =	simm.s32 $0x1080;
	[smem:$0x7FF] =	sst s4  }
0x7: {  	s12 =	simm.s32 $0x1880;
	_ =	strace $0x80000047;
	[dreg:$0x9] =	wrdreg s10  }
0x8: {  	s7 =	srdreg.scid;
	s14 =	simm.s32 $0x2080;
	[dreg:$0xa] =	wrdreg s12  }
0x9: {  	s3 =	stileid.u32;
	s15 =	simm.s32 $0x2880;
	[dreg:$0xb] =	wrdreg s14  }
0xa: {  	s16 =	simm.s32 $0x3080;
	s17 =	simm.s32 $0x3880;
	[dreg:$0xc] =	wrdreg s15  }
0xb: {  	s19 =	simm.s32 $0x4080;
	s20 =	simm.s32 $0x4880;
	[dreg:$0xd] =	wrdreg s16  }
0xc: {  	s21 =	simm.s32 $0x5080;
	s22 =	simm.s32 $0x5880;
	[dreg:$0xe] =	wrdreg s17  }
0xd: {  	s23 =	simm.s32 $0x6080;
	s25 =	simm.s32 $0x6880;
	[dreg:$0xf] =	wrdreg s19  }
0xe: {  	s26 =	simm.s32 $0x7080;
	s31 =	simm.s32 $0x7880;
	[dreg:$0x10] =	wrdreg s20  }
0xf: {  	s28 =	simm.s32 $0x1;
	s29 =	simm.s32 $0x2;
	[dreg:$0x11] =	wrdreg s21  }
0x10: {  	s30 =	simm.s32 $0x0;
	s7 =	sand.u32 $0x1, s7;
	[dreg:$0x12] =	wrdreg s22  }
0x11: {  	s8 =	sshll.u32 s3, $0x11;
	s11 =	sshll.u32 s3, $0xB;
	[dreg:$0x13] =	wrdreg s23  }
0x12: {  	s5 =	sadd.s32 s8, s5;
	s9 =	sshll.u32 s7, $0x10;
	[dreg:$0x14] =	wrdreg s25  }
0x13: {  	s6 =	sadd.s32 s8, s6;
	s13 =	sshll.u32 s7, $0xA;
	[dreg:$0x15] =	wrdreg s26  }
0x14: {  	s18 =	ssub.s32 $0x2, s7;
	s10 =	simm.s32 $0x80;
	[dreg:$0x16] =	wrdreg s31  }
0x15: {  	s12 =	simm.s32 $0x8880;
	s14 =	simm.s32 $0x9880;
	s15 =	simm.s32 $0xA080  }
0x16: {  	s16 =	simm.s32 $0xA880;
	s17 =	simm.s32 $0xB080;
	s19 =	simm.s32 $0xC080  }
0x17: {  	s20 =	simm.s32 $0xC880;
	s21 =	simm.s32 $0xD080;
	s22 =	simm.s32 $0xD880  }
0x18: {  	s23 =	simm.s32 $0xE080;
	s25 =	simm.s32 $0xF080;
	s26 =	simm.s32 $0xF880  }
0x19: {  	s5 =	sadd.s32 s9, s5;
	s8 =	sadd.s32 s9, s6;
	s9 =	simm.s32 $0x880  }
0x1a: {  	s6 =	sor.u32 s13, s11;
	s7 =	sshrl.u32 s18, $0x1;
	[dreg:$0x6] =	wrdreg s5  }
0x1b: {  	s11 =	simm.s32 $0x8080;
	s13 =	simm.s32 $0x9080;
	[dreg:$0x7] =	wrdreg s8  }
0x1c: {  	[dreg:$0x8] =	wrdreg s9;
	s6 =	sshrl.u32 s6, $0x3;
	s7 =	ssub.s32 s18, s7  }
0x1d: {  	v2 =	vlaneseq.u32;
	s5 =	sadd.s32 $0x100, s1;
	s9 =	simm.s32 $0x3;
	s18 =	simm.s32 $0xB880  }
0x1e: {  	vm0 =	vmmov $0xffff;
	v1 =	vshrl.u32 v2, $0x3;
	s0 =	sadd.s32 s6, s0;
	s6 =	sadd.s32 $0x100, s2;
	s24 =	smax.u32 s7, $0x1  }
0x1f: {  	v0 =	vand.u32 $0x7, v2;
	v2 =	vor.u32 $0x8, v2;
	v1 =	vmul.u32 $0x8, v1;
	[dreg:$0x17] =	wrdreg s24;
	s8 =	sadd.s32 $0x1600, s0;
	s24 =	simm.s32 $0xE880  }
.LBB2_1:
0x20: {  	s31 =	smov.u32 s8;
	s0 =	simm.s32 $0x0  }
.LBB2_2:
0x21: {  	[tilespmem:s4], [sflag:$0x3] =	stream.linear.gather [hbm4b:s31+s4], $0x40, $0x38;
	[tilespmem:$0x10080] =	vst v63  }
0x22: {  	_ =	swait.ge [sflag:s9], $0x40  }
0x23: {  	[sflag:s9] =	ssyncset.done $0x0  }
0x24: {  	[sflag:s9] =	ssyncadd.s32 $0xFFFFFFC0  }
0x25: {  	v3 =	vld [tilespmem:$0x0];
	_ =	sdelay $0x4  }
0x26: {  	v4 =	vshll.u32 v3, $0x2  }
0x27: {  	v3 =	vand.u32 $0x7, v3;
	v4 =	vand.u32 $0xFFFFFFE0, v4  }
0x28: {  	v3 =	vor.u32 v3, v4  }
0x29: {  	v4 =	vperm.xlane v3, v0;
	_ =	sdelay $0x1  }
0x2a: {  	v4 =	vadd.s32 v1, v4;
	_ =	sdelay $0x1  }
0x2b: {  	v3 =	vperm.xlane v3, v2;
	_ =	sdelay $0x1  }
0x2c: {  	v3 =	vadd.s32 v1, v3  }
0x2d: {  	[tilespmem:s10], [sflag:$0x1] =	stream.indirect_vreg.gather [hbm4b:s1+s4], $0x80, v4, vm0, $0xb8;
	[tilespmem:$0x10080] =	vst v63  }
0x2e: {  	s3 =	rddreg [dreg:$0x8]  }
0x2f: {  	[tilespmem:s3], [sflag:$0x1] =	stream.indirect_vreg.gather [hbm4b:s5+s4], $0x80, v4, vm0, $0xb8;
	[tilespmem:$0x10080] =	vst v63  }
0x30: {  	s7 =	rddreg [dreg:$0x9]  }
0x31: {  	[tilespmem:s7], [sflag:$0x1] =	stream.indirect_vreg.gather [hbm4b:s1+s4], $0x80, v3, vm0, $0xb8;
	[tilespmem:$0x10080] =	vst v63  }
0x32: {  	s3 =	rddreg [dreg:$0xa]  }
0x33: {  	[tilespmem:s3], [sflag:$0x1] =	stream.indirect_vreg.gather [hbm4b:s5+s4], $0x80, v3, vm0, $0xb8;
	[tilespmem:$0x10080] =	vst v63  }
0x34: {  	v3 =	vld [tilespmem:$0x10];
	_ =	sdelay $0x4  }
0x35: {  	v57 =	vshll.u32 v3, $0x2  }
0x36: {  	v3 =	vand.u32 $0x7, v3;
	v4 =	vand.u32 $0xFFFFFFE0, v57  }
0x37: {  	v3 =	vor.u32 v3, v4  }
0x38: {  	v4 =	vperm.xlane v3, v0;
	_ =	sdelay $0x1  }
0x39: {  	v4 =	vadd.s32 v1, v4;
	_ =	sdelay $0x1  }
0x3a: {  	v3 =	vperm.xlane v3, v2;
	_ =	sdelay $0x1  }
0x3b: {  	s3 =	rddreg [dreg:$0xb];
	v3 =	vadd.s32 v1, v3  }
0x3c: {  	[tilespmem:s3], [sflag:$0x1] =	stream.indirect_vreg.gather [hbm4b:s1+s4], $0x80, v4, vm0, $0xb8;
	[tilespmem:$0x10080] =	vst v63  }
0x3d: {  	s7 =	rddreg [dreg:$0xc]  }
0x3e: {  	[tilespmem:s7], [sflag:$0x1] =	stream.indirect_vreg.gather [hbm4b:s5+s4], $0x80, v4, vm0, $0xb8;
	[tilespmem:$0x10080] =	vst v63  }
0x3f: {  	s3 =	rddreg [dreg:$0xd]  }
0x40: {  	[tilespmem:s3], [sflag:$0x1] =	stream.indirect_vreg.gather [hbm4b:s1+s4], $0x80, v3, vm0, $0xb8;
	[tilespmem:$0x10080] =	vst v63  }
0x41: {  	s7 =	rddreg [dreg:$0xe]  }
0x42: {  	[tilespmem:s7], [sflag:$0x1] =	stream.indirect_vreg.gather [hbm4b:s5+s4], $0x80, v3, vm0, $0xb8;
	[tilespmem:$0x10080] =	vst v63  }
0x43: {  	v3 =	vld [tilespmem:$0x20];
	_ =	sdelay $0x4  }
0x44: {  	v58 =	vshll.u32 v3, $0x2  }
0x45: {  	v3 =	vand.u32 $0x7, v3;
	v4 =	vand.u32 $0xFFFFFFE0, v58  }
0x46: {  	v3 =	vor.u32 v3, v4  }
0x47: {  	v4 =	vperm.xlane v3, v0;
	_ =	sdelay $0x1  }
0x48: {  	v4 =	vadd.s32 v1, v4;
	_ =	sdelay $0x1  }
0x49: {  	v3 =	vperm.xlane v3, v2;
	_ =	sdelay $0x1  }
0x4a: {  	s3 =	rddreg [dreg:$0xf];
	v3 =	vadd.s32 v1, v3  }
0x4b: {  	[tilespmem:s3], [sflag:$0x1] =	stream.indirect_vreg.gather [hbm4b:s1+s4], $0x80, v4, vm0, $0xb8;
	[tilespmem:$0x10080] =	vst v63  }
0x4c: {  	s7 =	rddreg [dreg:$0x10]  }
0x4d: {  	[tilespmem:s7], [sflag:$0x1] =	stream.indirect_vreg.gather [hbm4b:s5+s4], $0x80, v4, vm0, $0xb8;
	[tilespmem:$0x10080] =	vst v63  }
0x4e: {  	s3 =	rddreg [dreg:$0x11]  }
0x4f: {  	[tilespmem:s3], [sflag:$0x1] =	stream.indirect_vreg.gather [hbm4b:s1+s4], $0x80, v3, vm0, $0xb8;
	[tilespmem:$0x10080] =	vst v63  }
0x50: {  	s7 =	rddreg [dreg:$0x12]  }
0x51: {  	[tilespmem:s7], [sflag:$0x1] =	stream.indirect_vreg.gather [hbm4b:s5+s4], $0x80, v3, vm0, $0xb8;
	[tilespmem:$0x10080] =	vst v63  }
0x52: {  	v3 =	vld [tilespmem:$0x30];
	_ =	sdelay $0x4  }
0x53: {  	v59 =	vshll.u32 v3, $0x2  }
0x54: {  	v3 =	vand.u32 $0x7, v3;
	v4 =	vand.u32 $0xFFFFFFE0, v59  }
0x55: {  	v3 =	vor.u32 v3, v4  }
0x56: {  	v4 =	vperm.xlane v3, v0;
	_ =	sdelay $0x1  }
0x57: {  	v4 =	vadd.s32 v1, v4;
	_ =	sdelay $0x1  }
0x58: {  	v3 =	vperm.xlane v3, v2;
	_ =	sdelay $0x1  }
0x59: {  	s3 =	rddreg [dreg:$0x13];
	v3 =	vadd.s32 v1, v3  }
0x5a: {  	[tilespmem:s3], [sflag:$0x1] =	stream.indirect_vreg.gather [hbm4b:s1+s4], $0x80, v4, vm0, $0xb8;
	[tilespmem:$0x10080] =	vst v63  }
0x5b: {  	s7 =	rddreg [dreg:$0x14]  }
0x5c: {  	[tilespmem:s7], [sflag:$0x1] =	stream.indirect_vreg.gather [hbm4b:s5+s4], $0x80, v4, vm0, $0xb8;
	[tilespmem:$0x10080] =	vst v63  }
0x5d: {  	s3 =	rddreg [dreg:$0x15]  }
0x5e: {  	[tilespmem:s3], [sflag:$0x1] =	stream.indirect_vreg.gather [hbm4b:s1+s4], $0x80, v3, vm0, $0xb8;
	[tilespmem:$0x10080] =	vst v63  }
0x5f: {  	s7 =	rddreg [dreg:$0x16]  }
0x60: {  	[tilespmem:s7], [sflag:$0x1] =	stream.indirect_vreg.gather [hbm4b:s5+s4], $0x80, v3, vm0, $0xb8;
	[tilespmem:$0x10080] =	vst v63  }
0x61: {  	v3 =	vld [tilespmem:$0x0];
	_ =	sdelay $0x4  }
0x62: {  	v60 =	vshll.u32 v3, $0x2  }
0x63: {  	v3 =	vand.u32 $0x7, v3;
	v4 =	vand.u32 $0xFFFFFFE0, v60  }
0x64: {  	v3 =	vor.u32 v3, v4  }
0x65: {  	v4 =	vperm.xlane v3, v0;
	_ =	sdelay $0x1  }
0x66: {  	v4 =	vadd.s32 v1, v4;
	_ =	sdelay $0x1  }
0x67: {  	v3 =	vperm.xlane v3, v2;
	_ =	sdelay $0x1  }
0x68: {  	v3 =	vadd.s32 v1, v3  }
0x69: {  	[tilespmem:s11], [sflag:$0x2] =	stream.indirect_vreg.gather [hbm4b:s2+s4], $0x80, v4, vm0, $0xb8;
	[tilespmem:$0x10080] =	vst v63  }
0x6a: {  	_ = 	snop  }
0x6b: {  	[tilespmem:s12], [sflag:$0x2] =	stream.indirect_vreg.gather [hbm4b:s6+s4], $0x80, v4, vm0, $0xb8;
	[tilespmem:$0x10080] =	vst v63  }
0x6c: {  	_ = 	snop  }
0x6d: {  	[tilespmem:s13], [sflag:$0x2] =	stream.indirect_vreg.gather [hbm4b:s2+s4], $0x80, v3, vm0, $0xb8;
	[tilespmem:$0x10080] =	vst v63  }
0x6e: {  	_ = 	snop  }
0x6f: {  	[tilespmem:s14], [sflag:$0x2] =	stream.indirect_vreg.gather [hbm4b:s6+s4], $0x80, v3, vm0, $0xb8;
	[tilespmem:$0x10080] =	vst v63  }
0x70: {  	v3 =	vld [tilespmem:$0x10];
	_ =	sdelay $0x4  }
0x71: {  	v61 =	vshll.u32 v3, $0x2  }
0x72: {  	v3 =	vand.u32 $0x7, v3;
	v4 =	vand.u32 $0xFFFFFFE0, v61  }
0x73: {  	v3 =	vor.u32 v3, v4  }
0x74: {  	v4 =	vperm.xlane v3, v0;
	_ =	sdelay $0x1  }
0x75: {  	v4 =	vadd.s32 v1, v4;
	_ =	sdelay $0x1  }
0x76: {  	v3 =	vperm.xlane v3, v2;
	_ =	sdelay $0x1  }
0x77: {  	v3 =	vadd.s32 v1, v3  }
0x78: {  	[tilespmem:s15], [sflag:$0x2] =	stream.indirect_vreg.gather [hbm4b:s2+s4], $0x80, v4, vm0, $0xb8;
	[tilespmem:$0x10080] =	vst v63  }
0x79: {  	_ = 	snop  }
0x7a: {  	[tilespmem:s16], [sflag:$0x2] =	stream.indirect_vreg.gather [hbm4b:s6+s4], $0x80, v4, vm0, $0xb8;
	[tilespmem:$0x10080] =	vst v63  }
0x7b: {  	_ = 	snop  }
0x7c: {  	[tilespmem:s17], [sflag:$0x2] =	stream.indirect_vreg.gather [hbm4b:s2+s4], $0x80, v3, vm0, $0xb8;
	[tilespmem:$0x10080] =	vst v63  }
0x7d: {  	_ = 	snop  }
0x7e: {  	[tilespmem:s18], [sflag:$0x2] =	stream.indirect_vreg.gather [hbm4b:s6+s4], $0x80, v3, vm0, $0xb8;
	[tilespmem:$0x10080] =	vst v63  }
0x7f: {  	v3 =	vld [tilespmem:$0x20];
	_ =	sdelay $0x4  }
0x80: {  	v62 =	vshll.u32 v3, $0x2  }
0x81: {  	v3 =	vand.u32 $0x7, v3;
	v4 =	vand.u32 $0xFFFFFFE0, v62  }
0x82: {  	v3 =	vor.u32 v3, v4  }
0x83: {  	v4 =	vperm.xlane v3, v0;
	_ =	sdelay $0x1  }
0x84: {  	v4 =	vadd.s32 v1, v4;
	_ =	sdelay $0x1  }
0x85: {  	v3 =	vperm.xlane v3, v2;
	_ =	sdelay $0x1  }
0x86: {  	v3 =	vadd.s32 v1, v3  }
0x87: {  	[tilespmem:s19], [sflag:$0x2] =	stream.indirect_vreg.gather [hbm4b:s2+s4], $0x80, v4, vm0, $0xb8;
	[tilespmem:$0x10080] =	vst v63  }
0x88: {  	_ = 	snop  }
0x89: {  	[tilespmem:s20], [sflag:$0x2] =	stream.indirect_vreg.gather [hbm4b:s6+s4], $0x80, v4, vm0, $0xb8;
	[tilespmem:$0x10080] =	vst v63  }
0x8a: {  	_ = 	snop  }
0x8b: {  	[tilespmem:s21], [sflag:$0x2] =	stream.indirect_vreg.gather [hbm4b:s2+s4], $0x80, v3, vm0, $0xb8;
	[tilespmem:$0x10080] =	vst v63  }
0x8c: {  	_ = 	snop  }
0x8d: {  	[tilespmem:s22], [sflag:$0x2] =	stream.indirect_vreg.gather [hbm4b:s6+s4], $0x80, v3, vm0, $0xb8;
	[tilespmem:$0x10080] =	vst v63  }
0x8e: {  	v3 =	vld [tilespmem:$0x30];
	_ =	sdelay $0x4  }
0x8f: {  	v63 =	vshll.u32 v3, $0x2  }
0x90: {  	v3 =	vand.u32 $0x7, v3;
	v4 =	vand.u32 $0xFFFFFFE0, v63  }
0x91: {  	v3 =	vor.u32 v3, v4  }
0x92: {  	v4 =	vperm.xlane v3, v0;
	_ =	sdelay $0x1  }
0x93: {  	v4 =	vadd.s32 v1, v4;
	_ =	sdelay $0x1  }
0x94: {  	v3 =	vperm.xlane v3, v2;
	_ =	sdelay $0x1  }
0x95: {  	v3 =	vadd.s32 v1, v3  }
0x96: {  	[tilespmem:s23], [sflag:$0x2] =	stream.indirect_vreg.gather [hbm4b:s2+s4], $0x80, v4, vm0, $0xb8;
	[tilespmem:$0x10080] =	vst v63  }
0x97: {  	_ = 	snop  }
0x98: {  	[tilespmem:s24], [sflag:$0x2] =	stream.indirect_vreg.gather [hbm4b:s6+s4], $0x80, v4, vm0, $0xb8;
	[tilespmem:$0x10080] =	vst v63  }
0x99: {  	_ = 	snop  }
0x9a: {  	[tilespmem:s25], [sflag:$0x2] =	stream.indirect_vreg.gather [hbm4b:s2+s4], $0x80, v3, vm0, $0xb8;
	[tilespmem:$0x10080] =	vst v63  }
0x9b: {  	_ = 	snop  }
0x9c: {  	[tilespmem:s26], [sflag:$0x2] =	stream.indirect_vreg.gather [hbm4b:s6+s4], $0x80, v3, vm0, $0xb8;
	[tilespmem:$0x10080] =	vst v63  }
0x9d: {  	_ =	swait.ge [sflag:s28], $0x8000  }
0x9e: {  	s7 =	rddreg [dreg:$0x6];
	[sflag:s28] =	ssyncset.done $0x0  }
0x9f: {  	[sflag:s28] =	ssyncadd.s32 $0xFFFF8000;
	s3 =	sadd.s32 s0, s7  }
0xa0: {  	[hbm4b:s3+s4] =	stream.linear.scatter [tilespmem:s10], [sflag:$0x3], $0x8000, $0x38;
	[tilespmem:$0x10080] =	vst v63  }
0xa1: {  	_ =	swait.ge [sflag:s9], $0x8000  }
0xa2: {  	[sflag:s9] =	ssyncset.done $0x0  }
0xa3: {  	[sflag:s9] =	ssyncadd.s32 $0xFFFF8000  }
0xa4: {  	_ =	swait.ge [sflag:s29], $0x8000  }
0xa5: {  	p0 =	sne.s32 s0, $0xF000;
	s7 =	rddreg [dreg:$0x7];
	[sflag:s29] =	ssyncset.done $0x0  }
.Ltmp0:
0xa6: {  	[sflag:s29] =	ssyncadd.s32 $0xFFFF8000;
	s3 =	sadd.s32 s0, s7;
	(pc) =	sbr.rel @p0 .LBB2_2-.Ltmp0, $4  }
0xa7: {  	[hbm4b:s3+s4] =	stream.linear.scatter [tilespmem:s11], [sflag:$0x3], $0x8000, $0x38;
	[tilespmem:$0x10080] =	vst v63  }
0xa8: {  	_ =	swait.ge [sflag:s9], $0x8000  }
0xa9: {  	[sflag:s9] =	ssyncset.done $0x0  }
0xaa: {  	s31 =	sadd.s32 $0x8, s31;
	s0 =	sadd.s32 $0x1000, s0;
	[sflag:s9] =	ssyncadd.s32 $0xFFFF8000  }
0xab: {  	s30 =	sadd.s32 $0x1, s30;
	s0 =	rddreg [dreg:$0x17]  }
0xac: {  	p0 =	sne.s32 s30, s0  }
.Ltmp1:
0xad: {  	_ = 	snop;
	(pc) =	sbr.rel @p0 .LBB2_1-.Ltmp1, $1  }
0xae: {  	_ =	sdelay $0x3  }
0xaf: {  	_ =	sfence.sel $0x180000  }
0xb0: {  	[bflag:$0x0] =	sbarrier.arrive $0xFFFF  }
0xb1: {  	_ =	strace $0x90000047  }
0xb2: {  	s0 =	stileid.u32;
	[bflag:$0x2] =	sbarrier.arrive $0xFFFF  }
0xb3: {  	p0 =	sne.s32 s0, $0x0;
	s0 =	rddreg [dreg:$0x5]  }
0xb4: {  	s0 =	sadd.s32 @!p0 $0x100000, s0  }
0xb5: {  	[sflag:s0] =	ssyncadd.tile.s32 @!p0 $0x1;
	_ =	shalt  }
.Lfunc_end2:
_tile_overlayer_lowered:
.L_overlay_start_2:
0xb6: {  	(tag) =	ssettag $0x2  }
0xb7: {  	s0 =	rddreg [dreg:$0x0];
	s2 =	stileid.u32  }
0xb8: {  	s1 =	rddreg [dreg:$0x1];
	p0 =	sne.s32 s2, $0x0  }
0xb9: {  	s3 =	rddreg [dreg:$0x2];
	[bflag:$0x3] =	sbarrier.arrive $0xFFFF;
	s2 =	simm.s32 @!p0 $0x1C03  }
0xba: {  	[timem:s3], [sflag:s2] =	dma.local @!p0 [hbm:s0], s1  }
0xbb: {  	s0 =	simm.s32 @!p0 $0x3  }
0xbc: {  	_ =	swait.ge @!p0 [sflag:s0], s1  }
0xbd: {  	s1 =	ssub.s32 @!p0 $0x0, s1;
	[sflag:s0] =	ssyncset.done @!p0 $0x0  }
0xbe: {  	[sflag:s0] =	ssyncadd.s32 @!p0 s1  }
0xbf: {  	[bflag:$0x3] =	sbarrier.arrive $0xFFFF  }
0xc0: {  	_ =	shalt  }

</sc_bundles>
